<compile_context>
chip_gen: v7x
topology: tpu7x:2x2x1
jax: 0.10.2.dev20260603
libtpu: 0.0.44.dev20260713+nightly
codegen_flags: <defaults>
</compile_context>

<pallas_src>
import jax
import jax.numpy as jnp
from jax import lax
from jax.experimental import pallas as pl
from jax.experimental.pallas import tpu as pltpu
from jax.experimental.pallas import tpu_sc as plsc

BSZ = 16384
FEA = 64
NC = 2
NS = 16
NW = NC * NS
B_PER_W = BSZ // NW
LANES = 16


def _sc_gather_kernel(uid_hbm, iid_hbm, utab_hbm, itab_hbm, out_hbm,
                      uidx_v, iidx_v, urows_v, irows_v,
                      sem_u, sem_i, sem_x, sem_y):
    wid = lax.axis_index("s") * NC + lax.axis_index("c")
    base = wid * B_PER_W
    cp_x = pltpu.async_copy(uid_hbm.at[pl.ds(base, B_PER_W)], uidx_v, sem_x)
    cp_y = pltpu.async_copy(iid_hbm.at[pl.ds(base, B_PER_W)], iidx_v, sem_y)
    cp_x.wait()
    cp_u = pltpu.async_copy(utab_hbm.at[0].at[uidx_v], urows_v, sem_u)
    cp_y.wait()
    cp_i = pltpu.async_copy(itab_hbm.at[0].at[iidx_v], irows_v, sem_i)
    cp_u.wait()
    cp_i.wait()
    for j in range(B_PER_W // LANES):
        sl = pl.ds(j * LANES, LANES)
        urows_v[sl] = urows_v[sl] + irows_v[sl]
    pltpu.sync_copy(urows_v, out_hbm.at[pl.ds(base, B_PER_W)])


def _sc_gather(uid, iid, utab, itab):
    mesh = plsc.VectorSubcoreMesh(
        core_axis_name="c", subcore_axis_name="s",
        num_cores=NC, num_subcores=NS)
    return pl.kernel(
        _sc_gather_kernel,
        out_type=jax.ShapeDtypeStruct((BSZ,), jnp.float32),
        mesh=mesh,
        compiler_params=pltpu.CompilerParams(
            needs_layout_passes=False, use_tc_tiling_on_sc=True),
        scratch_types=[
            pltpu.VMEM((B_PER_W,), jnp.int32),
            pltpu.VMEM((B_PER_W,), jnp.int32),
            pltpu.VMEM((B_PER_W,), jnp.float32),
            pltpu.VMEM((B_PER_W,), jnp.float32),
            pltpu.SemaphoreType.DMA,
            pltpu.SemaphoreType.DMA,
            pltpu.SemaphoreType.DMA,
            pltpu.SemaphoreType.DMA,
        ],
    )(uid, iid, utab, itab)


NUM_ROWS = 1000000
PAD_ROWS = 1000448


def _tc_repack_kernel(u_ref, i_ref, uo_ref, io_ref, su, si):
    cu = pltpu.make_async_copy(u_ref, uo_ref.at[pl.ds(0, NUM_ROWS), :], su)
    ci = pltpu.make_async_copy(i_ref, io_ref.at[pl.ds(0, NUM_ROWS), :], si)
    cu.start()
    ci.start()
    cu.wait()
    ci.wait()


def _tc_repack(utab, itab):
    return pl.pallas_call(
        _tc_repack_kernel,
        in_specs=[
            pl.BlockSpec(memory_space=pl.ANY),
            pl.BlockSpec(memory_space=pl.ANY),
        ],
        out_specs=[
            pl.BlockSpec(memory_space=pl.ANY),
            pl.BlockSpec(memory_space=pl.ANY),
        ],
        out_shape=[
            jax.ShapeDtypeStruct((PAD_ROWS, 1), jnp.float32),
            jax.ShapeDtypeStruct((PAD_ROWS, 1), jnp.float32),
        ],
        scratch_shapes=[pltpu.SemaphoreType.DMA, pltpu.SemaphoreType.DMA],
    )(utab, itab)


def _tc_dot_kernel(u_ref, i_ref, o_ref):
    o_ref[...] = jnp.sum(u_ref[...] * i_ref[...], axis=0)


def _tc_dot(ufea_t, ifea_t):
    return pl.pallas_call(
        _tc_dot_kernel,
        out_shape=jax.ShapeDtypeStruct((BSZ,), jnp.float32),
    )(ufea_t, ifea_t)


def _tc_combine_kernel(go_ref, dot_ref, b_ref, o_ref):
    o_ref[...] = dot_ref[...] + b_ref[...] + go_ref[0]


def _tc_combine(dot, bias, globalOffset):
    return pl.pallas_call(
        _tc_combine_kernel,
        out_shape=jax.ShapeDtypeStruct((BSZ,), jnp.float32),
    )(globalOffset, dot, bias)


def kernel(batch_userFea, batch_itemFea, batch_uid, batch_iid,
           globalOffset, uid_userOffset, iid_itemOffset):
    utab, itab = lax.optimization_barrier(
        (uid_userOffset.T, iid_itemOffset.T))
    bias = _sc_gather(batch_uid.astype(jnp.int32),
                      batch_iid.astype(jnp.int32), utab, itab)
    dot = _tc_dot(batch_userFea.T, batch_itemFea.T)
    out = _tc_combine(dot, bias, globalOffset)
    return out.reshape(BSZ, 1)

# --- scband reference (transcript-rebuilt; emitter-appended) ---
"""Pipeline reference for scband-dense-cnn-rating-pred-31705448579893 (READ-ONLY COPY).

The authoritative reference and input builder live on the scoring server;
editing this copy changes nothing except your own understanding.
"""

import jax, jax.numpy as jnp
import numpy as np

NUM_USERS = 1000000
NUM_ITEMS = 1000000
BSZ = 16384
FEA = 64

def setup_inputs(seed: int = 0) -> dict:
    key = jax.random.key(seed)
    k1, k2, k3, k4 = jax.random.split(key, 4)
    batch_userFea = jax.random.normal(k1, (BSZ, FEA), dtype=jnp.float32)
    batch_itemFea = jax.random.normal(k2, (BSZ, FEA), dtype=jnp.float32)
    batch_uid = jax.random.randint(k3, (BSZ,), 0, NUM_USERS, dtype=jnp.int64 if jax.config.read('jax_enable_x64') else jnp.int32)
    batch_iid = jax.random.randint(k4, (BSZ,), 0, NUM_ITEMS, dtype=jnp.int64 if jax.config.read('jax_enable_x64') else jnp.int32)
    # learned parameters (initialized to zero, as in the torch module)
    globalOffset = jnp.zeros((1,), dtype=jnp.float32)
    uid_userOffset = jnp.zeros((NUM_USERS, 1), dtype=jnp.float32)
    iid_itemOffset = jnp.zeros((NUM_ITEMS, 1), dtype=jnp.float32)
    return {
        'batch_userFea': batch_userFea,
        'batch_itemFea': batch_itemFea,
        'batch_uid': batch_uid,
        'batch_iid': batch_iid,
        'globalOffset': globalOffset,
        'uid_userOffset': uid_userOffset,
        'iid_itemOffset': iid_itemOffset,
    }

def reference(batch_userFea, batch_itemFea, batch_uid, batch_iid, globalOffset, uid_userOffset, iid_itemOffset):
    # embedding lookups (bias offsets)
    batch_userOffset = jnp.take(uid_userOffset, batch_uid, axis=0)  # [bsz, 1]
    batch_itemOffset = jnp.take(iid_itemOffset, batch_iid, axis=0)  # [bsz, 1]
    # raw rating = dot(userFea, itemFea)
    rating_pred = jnp.sum(batch_userFea * batch_itemFea, axis=1, keepdims=True)  # [bsz, 1]
    # add user & item bias
    rating_pred = rating_pred + batch_userOffset + batch_itemOffset
    # add global bias
    rating_pred = rating_pred + globalOffset
    return rating_pred

if __name__ == "__main__":
    import jax
    _d = setup_inputs()
    print(jax.jit(kernel)(*tuple(_d.values())))

</pallas_src>

<mosaic_0001>
#map = affine_map<(d0, d1) -> (0)>
#map1 = affine_map<(d0, d1) -> (0, 0)>
module attributes {stable_mosaic.version = 14 : i64} {
  func.func @_sc_gather_kernel(%arg0: i32, %arg1: i32, %arg2: memref<16384xi32, #tpu.memory_space<hbm>>, %arg3: memref<16384xi32, #tpu.memory_space<hbm>>, %arg4: memref<1x1000000xf32, #tpu.memory_space<hbm>>, %arg5: memref<1x1000000xf32, #tpu.memory_space<hbm>>, %arg6: memref<16384xf32, #tpu.memory_space<hbm>>, %arg7: memref<512xi32, #tpu.memory_space<vmem>>, %arg8: memref<512xi32, #tpu.memory_space<vmem>>, %arg9: memref<512xf32, #tpu.memory_space<vmem>>, %arg10: memref<512xf32, #tpu.memory_space<vmem>>, %arg11: memref<!tpu.dma_semaphore, #tpu.memory_space<semaphore_mem>>, %arg12: memref<!tpu.dma_semaphore, #tpu.memory_space<semaphore_mem>>, %arg13: memref<!tpu.dma_semaphore, #tpu.memory_space<semaphore_mem>>, %arg14: memref<!tpu.dma_semaphore, #tpu.memory_space<semaphore_mem>>) attributes {dimension_semantics = [#tpu.dimension_semantics<core_parallel>, #tpu.dimension_semantics<subcore_parallel>], iteration_bounds = array<i64: 2, 16>, scalar_prefetch = 0 : i64, scratch_operands = 8 : i64, tpu.core_type = #tpu.core_type<sc_vector_subcore>, window_params = [{transform_indices = #map}, {transform_indices = #map}, {transform_indices = #map1}, {transform_indices = #map1}, {transform_indices = #map}]} {
    %mul3A = arith.constant 2 : i32
    %mul3A_0 = arith.muli %arg1, %mul3A : i32
    %add3A = arith.addi %mul3A_0, %arg0 : i32
    %mul3A_1 = arith.constant 512 : i32
    %mul3A_2 = arith.muli %add3A, %mul3A_1 : i32
    %dma_start3A = tpu.memref_slice %arg2[%mul3A_2] : memref<16384xi32, #tpu.memory_space<hbm>> -> memref<512xi32, #tpu.memory_space<hbm>>
    %dma_start3A_3 = tpu.memref_slice %arg2[%mul3A_2] : memref<16384xi32, #tpu.memory_space<hbm>> -> memref<512xi32, #tpu.memory_space<hbm>>
    tpu.enqueue_dma source(%dma_start3A_3 : memref<512xi32, #tpu.memory_space<hbm>>) target(%arg7 : memref<512xi32, #tpu.memory_space<vmem>>) target_semaphore(%arg13 : memref<!tpu.dma_semaphore, #tpu.memory_space<semaphore_mem>>)
    %dma_start3A_4 = tpu.memref_slice %arg3[%mul3A_2] : memref<16384xi32, #tpu.memory_space<hbm>> -> memref<512xi32, #tpu.memory_space<hbm>>
    %dma_start3A_5 = tpu.memref_slice %arg3[%mul3A_2] : memref<16384xi32, #tpu.memory_space<hbm>> -> memref<512xi32, #tpu.memory_space<hbm>>
    tpu.enqueue_dma source(%dma_start3A_5 : memref<512xi32, #tpu.memory_space<hbm>>) target(%arg8 : memref<512xi32, #tpu.memory_space<vmem>>) target_semaphore(%arg14 : memref<!tpu.dma_semaphore, #tpu.memory_space<semaphore_mem>>)
    %dma_wait3A = tpu.memref_slice %arg2[%mul3A_2] : memref<16384xi32, #tpu.memory_space<hbm>> -> memref<512xi32, #tpu.memory_space<hbm>>
    %dma_wait3A_6 = tpu.memref_slice %arg2[%mul3A_2] : memref<16384xi32, #tpu.memory_space<hbm>> -> memref<512xi32, #tpu.memory_space<hbm>>
    tpu.wait_dma2 semaphore(%arg13 : memref<!tpu.dma_semaphore, #tpu.memory_space<semaphore_mem>>) src(%dma_wait3A_6 : memref<512xi32, #tpu.memory_space<hbm>>) dst(%arg7 : memref<512xi32, #tpu.memory_space<vmem>>)
    %dma_start3A_7 = arith.constant 0 : i32
    %dma_start3A_8 = arith.constant 0 : i32
    %dma_start3A_9 = tpu.memref_slice %arg4[%dma_start3A_7, %dma_start3A_8] : memref<1x1000000xf32, #tpu.memory_space<hbm>> -> memref<1x1000000xf32, #tpu.memory_space<hbm>>
    %dma_start3A_10 = tpu.memref_squeeze %dma_start3A_9 : memref<1x1000000xf32, #tpu.memory_space<hbm>> -> memref<1000000xf32, #tpu.memory_space<hbm>>
    %dma_start3A_11 = arith.constant 0 : i32
    %dma_start3A_12 = tpu.memref_slice %dma_start3A_10[%dma_start3A_11] : memref<1000000xf32, #tpu.memory_space<hbm>> -> memref<1000000xf32, #tpu.memory_space<hbm>>
    tpu.enqueue_indirect_dma source(%dma_start3A_12 : memref<1000000xf32, #tpu.memory_space<hbm>>) target(%arg9 : memref<512xf32, #tpu.memory_space<vmem>>) offsets(%arg7 : memref<512xi32, #tpu.memory_space<vmem>>) semaphore(%arg11 : memref<!tpu.dma_semaphore, #tpu.memory_space<semaphore_mem>>)
    %dma_wait3A_13 = tpu.memref_slice %arg3[%mul3A_2] : memref<16384xi32, #tpu.memory_space<hbm>> -> memref<512xi32, #tpu.memory_space<hbm>>
    %dma_wait3A_14 = tpu.memref_slice %arg3[%mul3A_2] : memref<16384xi32, #tpu.memory_space<hbm>> -> memref<512xi32, #tpu.memory_space<hbm>>
    tpu.wait_dma2 semaphore(%arg14 : memref<!tpu.dma_semaphore, #tpu.memory_space<semaphore_mem>>) src(%dma_wait3A_14 : memref<512xi32, #tpu.memory_space<hbm>>) dst(%arg8 : memref<512xi32, #tpu.memory_space<vmem>>)
    %dma_start3A_15 = arith.constant 0 : i32
    %dma_start3A_16 = arith.constant 0 : i32
    %dma_start3A_17 = tpu.memref_slice %arg5[%dma_start3A_15, %dma_start3A_16] : memref<1x1000000xf32, #tpu.memory_space<hbm>> -> memref<1x1000000xf32, #tpu.memory_space<hbm>>
    %dma_start3A_18 = tpu.memref_squeeze %dma_start3A_17 : memref<1x1000000xf32, #tpu.memory_space<hbm>> -> memref<1000000xf32, #tpu.memory_space<hbm>>
    %dma_start3A_19 = arith.constant 0 : i32
    %dma_start3A_20 = tpu.memref_slice %dma_start3A_18[%dma_start3A_19] : memref<1000000xf32, #tpu.memory_space<hbm>> -> memref<1000000xf32, #tpu.memory_space<hbm>>
    tpu.enqueue_indirect_dma source(%dma_start3A_20 : memref<1000000xf32, #tpu.memory_space<hbm>>) target(%arg10 : memref<512xf32, #tpu.memory_space<vmem>>) offsets(%arg8 : memref<512xi32, #tpu.memory_space<vmem>>) semaphore(%arg12 : memref<!tpu.dma_semaphore, #tpu.memory_space<semaphore_mem>>)
    %dma_wait3A_21 = arith.constant 0 : i32
    %dma_wait3A_22 = arith.constant 0 : i32
    %dma_wait3A_23 = tpu.memref_slice %arg4[%dma_wait3A_21, %dma_wait3A_22] : memref<1x1000000xf32, #tpu.memory_space<hbm>> -> memref<1x1000000xf32, #tpu.memory_space<hbm>>
    %dma_wait3A_24 = tpu.memref_squeeze %dma_wait3A_23 : memref<1x1000000xf32, #tpu.memory_space<hbm>> -> memref<1000000xf32, #tpu.memory_space<hbm>>
    %dma_wait3A_25 = arith.constant 0 : i32
    %dma_wait3A_26 = tpu.memref_slice %dma_wait3A_24[%dma_wait3A_25] : memref<1000000xf32, #tpu.memory_space<hbm>> -> memref<1000000xf32, #tpu.memory_space<hbm>>
    tpu.wait_indirect_dma semaphore(%arg11 : memref<!tpu.dma_semaphore, #tpu.memory_space<semaphore_mem>>) src(%dma_wait3A_26 : memref<1000000xf32, #tpu.memory_space<hbm>>) dst(%arg9 : memref<512xf32, #tpu.memory_space<vmem>>)
    %dma_wait3A_27 = arith.constant 0 : i32
    %dma_wait3A_28 = arith.constant 0 : i32
    %dma_wait3A_29 = tpu.memref_slice %arg5[%dma_wait3A_27, %dma_wait3A_28] : memref<1x1000000xf32, #tpu.memory_space<hbm>> -> memref<1x1000000xf32, #tpu.memory_space<hbm>>
    %dma_wait3A_30 = tpu.memref_squeeze %dma_wait3A_29 : memref<1x1000000xf32, #tpu.memory_space<hbm>> -> memref<1000000xf32, #tpu.memory_space<hbm>>
    %dma_wait3A_31 = arith.constant 0 : i32
    %dma_wait3A_32 = tpu.memref_slice %dma_wait3A_30[%dma_wait3A_31] : memref<1000000xf32, #tpu.memory_space<hbm>> -> memref<1000000xf32, #tpu.memory_space<hbm>>
    tpu.wait_indirect_dma semaphore(%arg12 : memref<!tpu.dma_semaphore, #tpu.memory_space<semaphore_mem>>) src(%dma_wait3A_32 : memref<1000000xf32, #tpu.memory_space<hbm>>) dst(%arg10 : memref<512xf32, #tpu.memory_space<vmem>>)
    %get3A = arith.constant 0 : index
    %get3A_33 = tpu.vector_load %arg9[%get3A] {strides = array<i32>} : memref<512xf32, #tpu.memory_space<vmem>>, vector<16xf32>,
    %get3A_34 = arith.constant 0 : index
    %get3A_35 = tpu.vector_load %arg10[%get3A_34] {strides = array<i32>} : memref<512xf32, #tpu.memory_space<vmem>>, vector<16xf32>,
    %add3A_36 = arith.addf %get3A_33, %get3A_35 : vector<16xf32>
    %swap3A = arith.constant 0 : index
    %swap3A_37 = tpu.vector_load %arg9[%swap3A] {strides = array<i32>} : memref<512xf32, #tpu.memory_space<vmem>>, vector<16xf32>,
    tpu.vector_store %arg9[%swap3A], %add3A_36 {strides = array<i32>} : memref<512xf32, #tpu.memory_space<vmem>>, vector<16xf32>,
    %get3A_38 = arith.constant 16 : index
    %get3A_39 = tpu.vector_load %arg9[%get3A_38] {strides = array<i32>} : memref<512xf32, #tpu.memory_space<vmem>>, vector<16xf32>,
    %get3A_40 = arith.constant 16 : index
    %get3A_41 = tpu.vector_load %arg10[%get3A_40] {strides = array<i32>} : memref<512xf32, #tpu.memory_space<vmem>>, vector<16xf32>,
    %add3A_42 = arith.addf %get3A_39, %get3A_41 : vector<16xf32>
    %swap3A_43 = arith.constant 16 : index
    %swap3A_44 = tpu.vector_load %arg9[%swap3A_43] {strides = array<i32>} : memref<512xf32, #tpu.memory_space<vmem>>, vector<16xf32>,
    tpu.vector_store %arg9[%swap3A_43], %add3A_42 {strides = array<i32>} : memref<512xf32, #tpu.memory_space<vmem>>, vector<16xf32>,
    %get3A_45 = arith.constant 32 : index
    %get3A_46 = tpu.vector_load %arg9[%get3A_45] {strides = array<i32>} : memref<512xf32, #tpu.memory_space<vmem>>, vector<16xf32>,
    %get3A_47 = arith.constant 32 : index
    %get3A_48 = tpu.vector_load %arg10[%get3A_47] {strides = array<i32>} : memref<512xf32, #tpu.memory_space<vmem>>, vector<16xf32>,
    %add3A_49 = arith.addf %get3A_46, %get3A_48 : vector<16xf32>
    %swap3A_50 = arith.constant 32 : index
    %swap3A_51 = tpu.vector_load %arg9[%swap3A_50] {strides = array<i32>} : memref<512xf32, #tpu.memory_space<vmem>>, vector<16xf32>,
    tpu.vector_store %arg9[%swap3A_50], %add3A_49 {strides = array<i32>} : memref<512xf32, #tpu.memory_space<vmem>>, vector<16xf32>,
    %get3A_52 = arith.constant 48 : index
    %get3A_53 = tpu.vector_load %arg9[%get3A_52] {strides = array<i32>} : memref<512xf32, #tpu.memory_space<vmem>>, vector<16xf32>,
    %get3A_54 = arith.constant 48 : index
    %get3A_55 = tpu.vector_load %arg10[%get3A_54] {strides = array<i32>} : memref<512xf32, #tpu.memory_space<vmem>>, vector<16xf32>,
    %add3A_56 = arith.addf %get3A_53, %get3A_55 : vector<16xf32>
    %swap3A_57 = arith.constant 48 : index
    %swap3A_58 = tpu.vector_load %arg9[%swap3A_57] {strides = array<i32>} : memref<512xf32, #tpu.memory_space<vmem>>, vector<16xf32>,
    tpu.vector_store %arg9[%swap3A_57], %add3A_56 {strides = array<i32>} : memref<512xf32, #tpu.memory_space<vmem>>, vector<16xf32>,
    %get3A_59 = arith.constant 64 : index
    %get3A_60 = tpu.vector_load %arg9[%get3A_59] {strides = array<i32>} : memref<512xf32, #tpu.memory_space<vmem>>, vector<16xf32>,
    %get3A_61 = arith.constant 64 : index
    %get3A_62 = tpu.vector_load %arg10[%get3A_61] {strides = array<i32>} : memref<512xf32, #tpu.memory_space<vmem>>, vector<16xf32>,
    %add3A_63 = arith.addf %get3A_60, %get3A_62 : vector<16xf32>
    %swap3A_64 = arith.constant 64 : index
    %swap3A_65 = tpu.vector_load %arg9[%swap3A_64] {strides = array<i32>} : memref<512xf32, #tpu.memory_space<vmem>>, vector<16xf32>,
    tpu.vector_store %arg9[%swap3A_64], %add3A_63 {strides = array<i32>} : memref<512xf32, #tpu.memory_space<vmem>>, vector<16xf32>,
    %get3A_66 = arith.constant 80 : index
    %get3A_67 = tpu.vector_load %arg9[%get3A_66] {strides = array<i32>} : memref<512xf32, #tpu.memory_space<vmem>>, vector<16xf32>,
    %get3A_68 = arith.constant 80 : index
    %get3A_69 = tpu.vector_load %arg10[%get3A_68] {strides = array<i32>} : memref<512xf32, #tpu.memory_space<vmem>>, vector<16xf32>,
    %add3A_70 = arith.addf %get3A_67, %get3A_69 : vector<16xf32>
    %swap3A_71 = arith.constant 80 : index
    %swap3A_72 = tpu.vector_load %arg9[%swap3A_71] {strides = array<i32>} : memref<512xf32, #tpu.memory_space<vmem>>, vector<16xf32>,
    tpu.vector_store %arg9[%swap3A_71], %add3A_70 {strides = array<i32>} : memref<512xf32, #tpu.memory_space<vmem>>, vector<16xf32>,
    %get3A_73 = arith.constant 96 : index
    %get3A_74 = tpu.vector_load %arg9[%get3A_73] {strides = array<i32>} : memref<512xf32, #tpu.memory_space<vmem>>, vector<16xf32>,
    %get3A_75 = arith.constant 96 : index
    %get3A_76 = tpu.vector_load %arg10[%get3A_75] {strides = array<i32>} : memref<512xf32, #tpu.memory_space<vmem>>, vector<16xf32>,
    %add3A_77 = arith.addf %get3A_74, %get3A_76 : vector<16xf32>
    %swap3A_78 = arith.constant 96 : index
    %swap3A_79 = tpu.vector_load %arg9[%swap3A_78] {strides = array<i32>} : memref<512xf32, #tpu.memory_space<vmem>>, vector<16xf32>,
    tpu.vector_store %arg9[%swap3A_78], %add3A_77 {strides = array<i32>} : memref<512xf32, #tpu.memory_space<vmem>>, vector<16xf32>,
    %get3A_80 = arith.constant 112 : index
    %get3A_81 = tpu.vector_load %arg9[%get3A_80] {strides = array<i32>} : memref<512xf32, #tpu.memory_space<vmem>>, vector<16xf32>,
    %get3A_82 = arith.constant 112 : index
    %get3A_83 = tpu.vector_load %arg10[%get3A_82] {strides = array<i32>} : memref<512xf32, #tpu.memory_space<vmem>>, vector<16xf32>,
    %add3A_84 = arith.addf %get3A_81, %get3A_83 : vector<16xf32>
    %swap3A_85 = arith.constant 112 : index
    %swap3A_86 = tpu.vector_load %arg9[%swap3A_85] {strides = array<i32>} : memref<512xf32, #tpu.memory_space<vmem>>, vector<16xf32>,
    tpu.vector_store %arg9[%swap3A_85], %add3A_84 {strides = array<i32>} : memref<512xf32, #tpu.memory_space<vmem>>, vector<16xf32>,
    %get3A_87 = arith.constant 128 : index
    %get3A_88 = tpu.vector_load %arg9[%get3A_87] {strides = array<i32>} : memref<512xf32, #tpu.memory_space<vmem>>, vector<16xf32>,
    %get3A_89 = arith.constant 128 : index
    %get3A_90 = tpu.vector_load %arg10[%get3A_89] {strides = array<i32>} : memref<512xf32, #tpu.memory_space<vmem>>, vector<16xf32>,
    %add3A_91 = arith.addf %get3A_88, %get3A_90 : vector<16xf32>
    %swap3A_92 = arith.constant 128 : index
    %swap3A_93 = tpu.vector_load %arg9[%swap3A_92] {strides = array<i32>} : memref<512xf32, #tpu.memory_space<vmem>>, vector<16xf32>,
    tpu.vector_store %arg9[%swap3A_92], %add3A_91 {strides = array<i32>} : memref<512xf32, #tpu.memory_space<vmem>>, vector<16xf32>,
    %get3A_94 = arith.constant 144 : index
    %get3A_95 = tpu.vector_load %arg9[%get3A_94] {strides = array<i32>} : memref<512xf32, #tpu.memory_space<vmem>>, vector<16xf32>,
    %get3A_96 = arith.constant 144 : index
    %get3A_97 = tpu.vector_load %arg10[%get3A_96] {strides = array<i32>} : memref<512xf32, #tpu.memory_space<vmem>>, vector<16xf32>,
    %add3A_98 = arith.addf %get3A_95, %get3A_97 : vector<16xf32>
    %swap3A_99 = arith.constant 144 : index
    %swap3A_100 = tpu.vector_load %arg9[%swap3A_99] {strides = array<i32>} : memref<512xf32, #tpu.memory_space<vmem>>, vector<16xf32>,
    tpu.vector_store %arg9[%swap3A_99], %add3A_98 {strides = array<i32>} : memref<512xf32, #tpu.memory_space<vmem>>, vector<16xf32>,
    %get3A_101 = arith.constant 160 : index
    %get3A_102 = tpu.vector_load %arg9[%get3A_101] {strides = array<i32>} : memref<512xf32, #tpu.memory_space<vmem>>, vector<16xf32>,
    %get3A_103 = arith.constant 160 : index
    %get3A_104 = tpu.vector_load %arg10[%get3A_103] {strides = array<i32>} : memref<512xf32, #tpu.memory_space<vmem>>, vector<16xf32>,
    %add3A_105 = arith.addf %get3A_102, %get3A_104 : vector<16xf32>
    %swap3A_106 = arith.constant 160 : index
    %swap3A_107 = tpu.vector_load %arg9[%swap3A_106] {strides = array<i32>} : memref<512xf32, #tpu.memory_space<vmem>>, vector<16xf32>,
    tpu.vector_store %arg9[%swap3A_106], %add3A_105 {strides = array<i32>} : memref<512xf32, #tpu.memory_space<vmem>>, vector<16xf32>,
    %get3A_108 = arith.constant 176 : index
    %get3A_109 = tpu.vector_load %arg9[%get3A_108] {strides = array<i32>} : memref<512xf32, #tpu.memory_space<vmem>>, vector<16xf32>,
    %get3A_110 = arith.constant 176 : index
    %get3A_111 = tpu.vector_load %arg10[%get3A_110] {strides = array<i32>} : memref<512xf32, #tpu.memory_space<vmem>>, vector<16xf32>,
    %add3A_112 = arith.addf %get3A_109, %get3A_111 : vector<16xf32>
    %swap3A_113 = arith.constant 176 : index
    %swap3A_114 = tpu.vector_load %arg9[%swap3A_113] {strides = array<i32>} : memref<512xf32, #tpu.memory_space<vmem>>, vector<16xf32>,
    tpu.vector_store %arg9[%swap3A_113], %add3A_112 {strides = array<i32>} : memref<512xf32, #tpu.memory_space<vmem>>, vector<16xf32>,
    %get3A_115 = arith.constant 192 : index
    %get3A_116 = tpu.vector_load %arg9[%get3A_115] {strides = array<i32>} : memref<512xf32, #tpu.memory_space<vmem>>, vector<16xf32>,
    %get3A_117 = arith.constant 192 : index
    %get3A_118 = tpu.vector_load %arg10[%get3A_117] {strides = array<i32>} : memref<512xf32, #tpu.memory_space<vmem>>, vector<16xf32>,
    %add3A_119 = arith.addf %get3A_116, %get3A_118 : vector<16xf32>
    %swap3A_120 = arith.constant 192 : index
    %swap3A_121 = tpu.vector_load %arg9[%swap3A_120] {strides = array<i32>} : memref<512xf32, #tpu.memory_space<vmem>>, vector<16xf32>,
    tpu.vector_store %arg9[%swap3A_120], %add3A_119 {strides = array<i32>} : memref<512xf32, #tpu.memory_space<vmem>>, vector<16xf32>,
    %get3A_122 = arith.constant 208 : index
    %get3A_123 = tpu.vector_load %arg9[%get3A_122] {strides = array<i32>} : memref<512xf32, #tpu.memory_space<vmem>>, vector<16xf32>,
    %get3A_124 = arith.constant 208 : index
    %get3A_125 = tpu.vector_load %arg10[%get3A_124] {strides = array<i32>} : memref<512xf32, #tpu.memory_space<vmem>>, vector<16xf32>,
    %add3A_126 = arith.addf %get3A_123, %get3A_125 : vector<16xf32>
    %swap3A_127 = arith.constant 208 : index
    %swap3A_128 = tpu.vector_load %arg9[%swap3A_127] {strides = array<i32>} : memref<512xf32, #tpu.memory_space<vmem>>, vector<16xf32>,
    tpu.vector_store %arg9[%swap3A_127], %add3A_126 {strides = array<i32>} : memref<512xf32, #tpu.memory_space<vmem>>, vector<16xf32>,
    %get3A_129 = arith.constant 224 : index
    %get3A_130 = tpu.vector_load %arg9[%get3A_129] {strides = array<i32>} : memref<512xf32, #tpu.memory_space<vmem>>, vector<16xf32>,
    %get3A_131 = arith.constant 224 : index
    %get3A_132 = tpu.vector_load %arg10[%get3A_131] {strides = array<i32>} : memref<512xf32, #tpu.memory_space<vmem>>, vector<16xf32>,
    %add3A_133 = arith.addf %get3A_130, %get3A_132 : vector<16xf32>
    %swap3A_134 = arith.constant 224 : index
    %swap3A_135 = tpu.vector_load %arg9[%swap3A_134] {strides = array<i32>} : memref<512xf32, #tpu.memory_space<vmem>>, vector<16xf32>,
    tpu.vector_store %arg9[%swap3A_134], %add3A_133 {strides = array<i32>} : memref<512xf32, #tpu.memory_space<vmem>>, vector<16xf32>,
    %get3A_136 = arith.constant 240 : index
    %get3A_137 = tpu.vector_load %arg9[%get3A_136] {strides = array<i32>} : memref<512xf32, #tpu.memory_space<vmem>>, vector<16xf32>,
    %get3A_138 = arith.constant 240 : index
    %get3A_139 = tpu.vector_load %arg10[%get3A_138] {strides = array<i32>} : memref<512xf32, #tpu.memory_space<vmem>>, vector<16xf32>,
    %add3A_140 = arith.addf %get3A_137, %get3A_139 : vector<16xf32>
    %swap3A_141 = arith.constant 240 : index
    %swap3A_142 = tpu.vector_load %arg9[%swap3A_141] {strides = array<i32>} : memref<512xf32, #tpu.memory_space<vmem>>, vector<16xf32>,
    tpu.vector_store %arg9[%swap3A_141], %add3A_140 {strides = array<i32>} : memref<512xf32, #tpu.memory_space<vmem>>, vector<16xf32>,
    %get3A_143 = arith.constant 256 : index
    %get3A_144 = tpu.vector_load %arg9[%get3A_143] {strides = array<i32>} : memref<512xf32, #tpu.memory_space<vmem>>, vector<16xf32>,
    %get3A_145 = arith.constant 256 : index
    %get3A_146 = tpu.vector_load %arg10[%get3A_145] {strides = array<i32>} : memref<512xf32, #tpu.memory_space<vmem>>, vector<16xf32>,
    %add3A_147 = arith.addf %get3A_144, %get3A_146 : vector<16xf32>
    %swap3A_148 = arith.constant 256 : index
    %swap3A_149 = tpu.vector_load %arg9[%swap3A_148] {strides = array<i32>} : memref<512xf32, #tpu.memory_space<vmem>>, vector<16xf32>,
    tpu.vector_store %arg9[%swap3A_148], %add3A_147 {strides = array<i32>} : memref<512xf32, #tpu.memory_space<vmem>>, vector<16xf32>,
    %get3A_150 = arith.constant 272 : index
    %get3A_151 = tpu.vector_load %arg9[%get3A_150] {strides = array<i32>} : memref<512xf32, #tpu.memory_space<vmem>>, vector<16xf32>,
    %get3A_152 = arith.constant 272 : index
    %get3A_153 = tpu.vector_load %arg10[%get3A_152] {strides = array<i32>} : memref<512xf32, #tpu.memory_space<vmem>>, vector<16xf32>,
    %add3A_154 = arith.addf %get3A_151, %get3A_153 : vector<16xf32>
    %swap3A_155 = arith.constant 272 : index
    %swap3A_156 = tpu.vector_load %arg9[%swap3A_155] {strides = array<i32>} : memref<512xf32, #tpu.memory_space<vmem>>, vector<16xf32>,
    tpu.vector_store %arg9[%swap3A_155], %add3A_154 {strides = array<i32>} : memref<512xf32, #tpu.memory_space<vmem>>, vector<16xf32>,
    %get3A_157 = arith.constant 288 : index
    %get3A_158 = tpu.vector_load %arg9[%get3A_157] {strides = array<i32>} : memref<512xf32, #tpu.memory_space<vmem>>, vector<16xf32>,
    %get3A_159 = arith.constant 288 : index
    %get3A_160 = tpu.vector_load %arg10[%get3A_159] {strides = array<i32>} : memref<512xf32, #tpu.memory_space<vmem>>, vector<16xf32>,
    %add3A_161 = arith.addf %get3A_158, %get3A_160 : vector<16xf32>
    %swap3A_162 = arith.constant 288 : index
    %swap3A_163 = tpu.vector_load %arg9[%swap3A_162] {strides = array<i32>} : memref<512xf32, #tpu.memory_space<vmem>>, vector<16xf32>,
    tpu.vector_store %arg9[%swap3A_162], %add3A_161 {strides = array<i32>} : memref<512xf32, #tpu.memory_space<vmem>>, vector<16xf32>,
    %get3A_164 = arith.constant 304 : index
    %get3A_165 = tpu.vector_load %arg9[%get3A_164] {strides = array<i32>} : memref<512xf32, #tpu.memory_space<vmem>>, vector<16xf32>,
    %get3A_166 = arith.constant 304 : index
    %get3A_167 = tpu.vector_load %arg10[%get3A_166] {strides = array<i32>} : memref<512xf32, #tpu.memory_space<vmem>>, vector<16xf32>,
    %add3A_168 = arith.addf %get3A_165, %get3A_167 : vector<16xf32>
    %swap3A_169 = arith.constant 304 : index
    %swap3A_170 = tpu.vector_load %arg9[%swap3A_169] {strides = array<i32>} : memref<512xf32, #tpu.memory_space<vmem>>, vector<16xf32>,
    tpu.vector_store %arg9[%swap3A_169], %add3A_168 {strides = array<i32>} : memref<512xf32, #tpu.memory_space<vmem>>, vector<16xf32>,
    %get3A_171 = arith.constant 320 : index
    %get3A_172 = tpu.vector_load %arg9[%get3A_171] {strides = array<i32>} : memref<512xf32, #tpu.memory_space<vmem>>, vector<16xf32>,
    %get3A_173 = arith.constant 320 : index
    %get3A_174 = tpu.vector_load %arg10[%get3A_173] {strides = array<i32>} : memref<512xf32, #tpu.memory_space<vmem>>, vector<16xf32>,
    %add3A_175 = arith.addf %get3A_172, %get3A_174 : vector<16xf32>
    %swap3A_176 = arith.constant 320 : index
    %swap3A_177 = tpu.vector_load %arg9[%swap3A_176] {strides = array<i32>} : memref<512xf32, #tpu.memory_space<vmem>>, vector<16xf32>,
    tpu.vector_store %arg9[%swap3A_176], %add3A_175 {strides = array<i32>} : memref<512xf32, #tpu.memory_space<vmem>>, vector<16xf32>,
    %get3A_178 = arith.constant 336 : index
    %get3A_179 = tpu.vector_load %arg9[%get3A_178] {strides = array<i32>} : memref<512xf32, #tpu.memory_space<vmem>>, vector<16xf32>,
    %get3A_180 = arith.constant 336 : index
    %get3A_181 = tpu.vector_load %arg10[%get3A_180] {strides = array<i32>} : memref<512xf32, #tpu.memory_space<vmem>>, vector<16xf32>,
    %add3A_182 = arith.addf %get3A_179, %get3A_181 : vector<16xf32>
    %swap3A_183 = arith.constant 336 : index
    %swap3A_184 = tpu.vector_load %arg9[%swap3A_183] {strides = array<i32>} : memref<512xf32, #tpu.memory_space<vmem>>, vector<16xf32>,
    tpu.vector_store %arg9[%swap3A_183], %add3A_182 {strides = array<i32>} : memref<512xf32, #tpu.memory_space<vmem>>, vector<16xf32>,
    %get3A_185 = arith.constant 352 : index
    %get3A_186 = tpu.vector_load %arg9[%get3A_185] {strides = array<i32>} : memref<512xf32, #tpu.memory_space<vmem>>, vector<16xf32>,
    %get3A_187 = arith.constant 352 : index
    %get3A_188 = tpu.vector_load %arg10[%get3A_187] {strides = array<i32>} : memref<512xf32, #tpu.memory_space<vmem>>, vector<16xf32>,
    %add3A_189 = arith.addf %get3A_186, %get3A_188 : vector<16xf32>
    %swap3A_190 = arith.constant 352 : index
    %swap3A_191 = tpu.vector_load %arg9[%swap3A_190] {strides = array<i32>} : memref<512xf32, #tpu.memory_space<vmem>>, vector<16xf32>,
    tpu.vector_store %arg9[%swap3A_190], %add3A_189 {strides = array<i32>} : memref<512xf32, #tpu.memory_space<vmem>>, vector<16xf32>,
    %get3A_192 = arith.constant 368 : index
    %get3A_193 = tpu.vector_load %arg9[%get3A_192] {strides = array<i32>} : memref<512xf32, #tpu.memory_space<vmem>>, vector<16xf32>,
    %get3A_194 = arith.constant 368 : index
    %get3A_195 = tpu.vector_load %arg10[%get3A_194] {strides = array<i32>} : memref<512xf32, #tpu.memory_space<vmem>>, vector<16xf32>,
    %add3A_196 = arith.addf %get3A_193, %get3A_195 : vector<16xf32>
    %swap3A_197 = arith.constant 368 : index
    %swap3A_198 = tpu.vector_load %arg9[%swap3A_197] {strides = array<i32>} : memref<512xf32, #tpu.memory_space<vmem>>, vector<16xf32>,
    tpu.vector_store %arg9[%swap3A_197], %add3A_196 {strides = array<i32>} : memref<512xf32, #tpu.memory_space<vmem>>, vector<16xf32>,
    %get3A_199 = arith.constant 384 : index
    %get3A_200 = tpu.vector_load %arg9[%get3A_199] {strides = array<i32>} : memref<512xf32, #tpu.memory_space<vmem>>, vector<16xf32>,
    %get3A_201 = arith.constant 384 : index
    %get3A_202 = tpu.vector_load %arg10[%get3A_201] {strides = array<i32>} : memref<512xf32, #tpu.memory_space<vmem>>, vector<16xf32>,
    %add3A_203 = arith.addf %get3A_200, %get3A_202 : vector<16xf32>
    %swap3A_204 = arith.constant 384 : index
    %swap3A_205 = tpu.vector_load %arg9[%swap3A_204] {strides = array<i32>} : memref<512xf32, #tpu.memory_space<vmem>>, vector<16xf32>,
    tpu.vector_store %arg9[%swap3A_204], %add3A_203 {strides = array<i32>} : memref<512xf32, #tpu.memory_space<vmem>>, vector<16xf32>,
    %get3A_206 = arith.constant 400 : index
    %get3A_207 = tpu.vector_load %arg9[%get3A_206] {strides = array<i32>} : memref<512xf32, #tpu.memory_space<vmem>>, vector<16xf32>,
    %get3A_208 = arith.constant 400 : index
    %get3A_209 = tpu.vector_load %arg10[%get3A_208] {strides = array<i32>} : memref<512xf32, #tpu.memory_space<vmem>>, vector<16xf32>,
    %add3A_210 = arith.addf %get3A_207, %get3A_209 : vector<16xf32>
    %swap3A_211 = arith.constant 400 : index
    %swap3A_212 = tpu.vector_load %arg9[%swap3A_211] {strides = array<i32>} : memref<512xf32, #tpu.memory_space<vmem>>, vector<16xf32>,
    tpu.vector_store %arg9[%swap3A_211], %add3A_210 {strides = array<i32>} : memref<512xf32, #tpu.memory_space<vmem>>, vector<16xf32>,
    %get3A_213 = arith.constant 416 : index
    %get3A_214 = tpu.vector_load %arg9[%get3A_213] {strides = array<i32>} : memref<512xf32, #tpu.memory_space<vmem>>, vector<16xf32>,
    %get3A_215 = arith.constant 416 : index
    %get3A_216 = tpu.vector_load %arg10[%get3A_215] {strides = array<i32>} : memref<512xf32, #tpu.memory_space<vmem>>, vector<16xf32>,
    %add3A_217 = arith.addf %get3A_214, %get3A_216 : vector<16xf32>
    %swap3A_218 = arith.constant 416 : index
    %swap3A_219 = tpu.vector_load %arg9[%swap3A_218] {strides = array<i32>} : memref<512xf32, #tpu.memory_space<vmem>>, vector<16xf32>,
    tpu.vector_store %arg9[%swap3A_218], %add3A_217 {strides = array<i32>} : memref<512xf32, #tpu.memory_space<vmem>>, vector<16xf32>,
    %get3A_220 = arith.constant 432 : index
    %get3A_221 = tpu.vector_load %arg9[%get3A_220] {strides = array<i32>} : memref<512xf32, #tpu.memory_space<vmem>>, vector<16xf32>,
    %get3A_222 = arith.constant 432 : index
    %get3A_223 = tpu.vector_load %arg10[%get3A_222] {strides = array<i32>} : memref<512xf32, #tpu.memory_space<vmem>>, vector<16xf32>,
    %add3A_224 = arith.addf %get3A_221, %get3A_223 : vector<16xf32>
    %swap3A_225 = arith.constant 432 : index
    %swap3A_226 = tpu.vector_load %arg9[%swap3A_225] {strides = array<i32>} : memref<512xf32, #tpu.memory_space<vmem>>, vector<16xf32>,
    tpu.vector_store %arg9[%swap3A_225], %add3A_224 {strides = array<i32>} : memref<512xf32, #tpu.memory_space<vmem>>, vector<16xf32>,
    %get3A_227 = arith.constant 448 : index
    %get3A_228 = tpu.vector_load %arg9[%get3A_227] {strides = array<i32>} : memref<512xf32, #tpu.memory_space<vmem>>, vector<16xf32>,
    %get3A_229 = arith.constant 448 : index
    %get3A_230 = tpu.vector_load %arg10[%get3A_229] {strides = array<i32>} : memref<512xf32, #tpu.memory_space<vmem>>, vector<16xf32>,
    %add3A_231 = arith.addf %get3A_228, %get3A_230 : vector<16xf32>
    %swap3A_232 = arith.constant 448 : index
    %swap3A_233 = tpu.vector_load %arg9[%swap3A_232] {strides = array<i32>} : memref<512xf32, #tpu.memory_space<vmem>>, vector<16xf32>,
    tpu.vector_store %arg9[%swap3A_232], %add3A_231 {strides = array<i32>} : memref<512xf32, #tpu.memory_space<vmem>>, vector<16xf32>,
    %get3A_234 = arith.constant 464 : index
    %get3A_235 = tpu.vector_load %arg9[%get3A_234] {strides = array<i32>} : memref<512xf32, #tpu.memory_space<vmem>>, vector<16xf32>,
    %get3A_236 = arith.constant 464 : index
    %get3A_237 = tpu.vector_load %arg10[%get3A_236] {strides = array<i32>} : memref<512xf32, #tpu.memory_space<vmem>>, vector<16xf32>,
    %add3A_238 = arith.addf %get3A_235, %get3A_237 : vector<16xf32>
    %swap3A_239 = arith.constant 464 : index
    %swap3A_240 = tpu.vector_load %arg9[%swap3A_239] {strides = array<i32>} : memref<512xf32, #tpu.memory_space<vmem>>, vector<16xf32>,
    tpu.vector_store %arg9[%swap3A_239], %add3A_238 {strides = array<i32>} : memref<512xf32, #tpu.memory_space<vmem>>, vector<16xf32>,
    %get3A_241 = arith.constant 480 : index
    %get3A_242 = tpu.vector_load %arg9[%get3A_241] {strides = array<i32>} : memref<512xf32, #tpu.memory_space<vmem>>, vector<16xf32>,
    %get3A_243 = arith.constant 480 : index
    %get3A_244 = tpu.vector_load %arg10[%get3A_243] {strides = array<i32>} : memref<512xf32, #tpu.memory_space<vmem>>, vector<16xf32>,
    %add3A_245 = arith.addf %get3A_242, %get3A_244 : vector<16xf32>
    %swap3A_246 = arith.constant 480 : index
    %swap3A_247 = tpu.vector_load %arg9[%swap3A_246] {strides = array<i32>} : memref<512xf32, #tpu.memory_space<vmem>>, vector<16xf32>,
    tpu.vector_store %arg9[%swap3A_246], %add3A_245 {strides = array<i32>} : memref<512xf32, #tpu.memory_space<vmem>>, vector<16xf32>,
    %get3A_248 = arith.constant 496 : index
    %get3A_249 = tpu.vector_load %arg9[%get3A_248] {strides = array<i32>} : memref<512xf32, #tpu.memory_space<vmem>>, vector<16xf32>,
    %get3A_250 = arith.constant 496 : index
    %get3A_251 = tpu.vector_load %arg10[%get3A_250] {strides = array<i32>} : memref<512xf32, #tpu.memory_space<vmem>>, vector<16xf32>,
    %add3A_252 = arith.addf %get3A_249, %get3A_251 : vector<16xf32>
    %swap3A_253 = arith.constant 496 : index
    %swap3A_254 = tpu.vector_load %arg9[%swap3A_253] {strides = array<i32>} : memref<512xf32, #tpu.memory_space<vmem>>, vector<16xf32>,
    tpu.vector_store %arg9[%swap3A_253], %add3A_252 {strides = array<i32>} : memref<512xf32, #tpu.memory_space<vmem>>, vector<16xf32>,
    "tpu.region"() ({
      %run_scoped3A = tpu.sem_alloc : memref<!tpu.dma_semaphore, #tpu.memory_space<semaphore_mem>>
      %dma_start3A_255 = tpu.memref_slice %arg6[%mul3A_2] : memref<16384xf32, #tpu.memory_space<hbm>> -> memref<512xf32, #tpu.memory_space<hbm>>
      %dma_start3A_256 = tpu.memref_slice %arg6[%mul3A_2] : memref<16384xf32, #tpu.memory_space<hbm>> -> memref<512xf32, #tpu.memory_space<hbm>>
      tpu.enqueue_dma source(%arg9 : memref<512xf32, #tpu.memory_space<vmem>>) target(%dma_start3A_256 : memref<512xf32, #tpu.memory_space<hbm>>) target_semaphore(%run_scoped3A : memref<!tpu.dma_semaphore, #tpu.memory_space<semaphore_mem>>)
      %dma_wait3A_257 = tpu.memref_slice %arg6[%mul3A_2] : memref<16384xf32, #tpu.memory_space<hbm>> -> memref<512xf32, #tpu.memory_space<hbm>>
      %dma_wait3A_258 = tpu.memref_slice %arg6[%mul3A_2] : memref<16384xf32, #tpu.memory_space<hbm>> -> memref<512xf32, #tpu.memory_space<hbm>>
      tpu.wait_dma2 semaphore(%run_scoped3A : memref<!tpu.dma_semaphore, #tpu.memory_space<semaphore_mem>>) src(%arg9 : memref<512xf32, #tpu.memory_space<vmem>>) dst(%dma_wait3A_258 : memref<512xf32, #tpu.memory_space<hbm>>)
      tpu.yield
    }) : () -> ()
    return
  }
}

module attributes {stable_mosaic.version = 14 : i64} {
  func.func @_tc_dot_kernel(%arg0: memref<64x16384xf32, #tpu.memory_space<vmem>>, %arg1: memref<64x16384xf32, #tpu.memory_space<vmem>>, %arg2: memref<16384xf32, #tpu.memory_space<vmem>>) attributes {dimension_semantics = [], scalar_prefetch = 0 : i64, scratch_operands = 0 : i64, tpu.core_type = #tpu.core_type<tc>} {
    %get3A = arith.constant 0 : index
    %get3A_0 = arith.constant 0 : index
    %get3A_1 = vector.load %arg0[%get3A, %get3A_0] : memref<64x16384xf32, #tpu.memory_space<vmem>>, vector<64x16384xf32>
    %get3A_2 = arith.constant 0 : index
    %get3A_3 = arith.constant 0 : index
    %get3A_4 = vector.load %arg1[%get3A_2, %get3A_3] : memref<64x16384xf32, #tpu.memory_space<vmem>>, vector<64x16384xf32>
    %mul3A = arith.mulf %get3A_1, %get3A_4 : vector<64x16384xf32>
    %reduce_sum3A = arith.constant dense<0.000000e+00> : vector<16384xf32>
    %reduce_sum3A_5 = vector.multi_reduction <add>, %mul3A, %reduce_sum3A [0] : vector<64x16384xf32> to vector<16384xf32>
    %swap3A = arith.constant 0 : index
    %swap3A_6 = vector.load %arg2[%swap3A] : memref<16384xf32, #tpu.memory_space<vmem>>, vector<16384xf32>
    tpu.vector_store %arg2[%swap3A], %reduce_sum3A_5 {strides = array<i32>} : memref<16384xf32, #tpu.memory_space<vmem>>, vector<16384xf32>,
    return
  }
}

module attributes {stable_mosaic.version = 14 : i64} {
  func.func @_tc_combine_kernel(%arg0: memref<1xf32, #tpu.memory_space<vmem>>, %arg1: memref<16384xf32, #tpu.memory_space<vmem>>, %arg2: memref<16384xf32, #tpu.memory_space<vmem>>, %arg3: memref<16384xf32, #tpu.memory_space<vmem>>) attributes {dimension_semantics = [], scalar_prefetch = 0 : i64, scratch_operands = 0 : i64, tpu.core_type = #tpu.core_type<tc>} {
    %get3A = arith.constant 0 : index
    %get3A_0 = vector.load %arg1[%get3A] : memref<16384xf32, #tpu.memory_space<vmem>>, vector<16384xf32>
    %get3A_1 = arith.constant 0 : index
    %get3A_2 = vector.load %arg2[%get3A_1] : memref<16384xf32, #tpu.memory_space<vmem>>, vector<16384xf32>
    %add3A = arith.addf %get3A_0, %get3A_2 : vector<16384xf32>
    %get3A_3 = arith.constant 0 : index
    %get3A_4 = vector.load %arg0[%get3A_3] : memref<1xf32, #tpu.memory_space<vmem>>, vector<1xf32>
    %get3A_5 = vector.extract %get3A_4[0] : f32 from vector<1xf32>
    %add3A_6 = vector.broadcast %get3A_5 : f32 to vector<16384xf32>
    %add3A_7 = arith.addf %add3A, %add3A_6 : vector<16384xf32>
    %swap3A = arith.constant 0 : index
    %swap3A_8 = vector.load %arg3[%swap3A] : memref<16384xf32, #tpu.memory_space<vmem>>, vector<16384xf32>
    tpu.vector_store %arg3[%swap3A], %add3A_7 {strides = array<i32>} : memref<16384xf32, #tpu.memory_space<vmem>>, vector<16384xf32>,
    return
  }
}

</mosaic_0001>

<sc_bundles>
// kernel: kernel.5.cloned.1.call-start
scs
__scs_entry_jumppad:
0x0: {  	(pc) =	sbr.rel $0x88, $3  }
0x1: {  	(tag) =	ssettag $0x0;
	lr =	simm.s32 $0x1  }
0x2: {  	[smem:$0x3F9A] =	sst lr;
	_ =	strace $0xD0000000  }
0x3: {  	_ = 	snop  }
0x4: {  	_ = 	snop  }
0x5: {  	_ = 	snop  }
0x6: {  	_ = 	snop  }
0x7: {  	_ = 	snop  }
__scs_overlays_trampoline_lowered:
0x8: {  	[smem:$0x3FA9] =	sst s0  }
0x9: {  	[smem:$0x3FAA] =	sst s1  }
0xa: {  	[smem:$0x3FAB] =	sst s2  }
0xb: {  	[smem:$0x3FAC] =	sst s3  }
0xc: {  	[smem:$0x3FAD] =	sst s4  }
0xd: {  	[smem:$0x3FAE] =	sst s5  }
0xe: {  	[smem:$0x3FAF] =	sst s6  }
0xf: {  	[smem:$0x3FB0] =	sst s7  }
0x10: {  	[smem:$0x3FB1] =	sst s8  }
0x11: {  	[smem:$0x3FB2] =	sst s9;
	s0 =	simm.s32 @!p0 $0x0  }
0x12: {  	s1 =	sld [smem:$0x3F98];
	s0 =	simm.s32 @p0 $0x1  }
0x13: {  	[smem:$0x3FB3] =	sst s0;
	s0 =	simm.s32 @!p1 $0x0  }
0x14: {  	s2 =	sld [smem:$0x3F97];
	s0 =	simm.s32 @p1 $0x1  }
0x15: {  	[smem:$0x3FB4] =	sst s0;
	s0 =	simm.s32 @!p2 $0x0  }
0x16: {  	s3 =	sld [smem:$0x3FDB];
	s0 =	simm.s32 @p2 $0x1  }
0x17: {  	s4 =	simm.s32 $0x1BF5;
	[smem:$0x3FB6] =	sst s0  }
0x18: {  	s0 =	sld [smem:$0x3F99];
	_ =	swait.ge [sflag:s4], $0x0  }
0x19: {  	s7 =	sld [smem:$0x3F9A]  }
0x1a: {  	s8 =	sadd.s32 $0xFFFFE003, lr  }
0x1b: {  	s9 =	sadd.s32 $0xFFFFFEF7, lr;
	s5 =	simm.s32 $0xFFFFFFFF;
	p2 =	slt.u32 s8, $0xFFFFF086  }
0x1c: {  	p1 =	slt.u32 s9, $0xF7A;
	s5 =	simm.s32 @!p2 $0x0  }
0x1d: {  	s5 =	simm.s32 @p1 $0x1;
	p0 =	seq.s32 s7, s2  }
0x1e: {  	s7 =	smul.u32 @!p0 $0xF7A, s2;
	p2 =	seq.s32 @!p0 s5, $0x0  }
0x1f: {  	s9 =	smul.u32 $0xF7A, s1;
	s8 =	simm.s32 @!p0 $0x1BF5;
	p2 =	por !p2, p0  }
0x20: {  	[sflag:s8] =	ssyncset.s32 @!p0 $0xFFFFF086;
	s6 =	sadd.s32 @!p0 s3, s7;
	s7 =	simm.s32 @!p0 $0x108  }
0x21: {  	s3 =	sadd.s32 s3, s9;
	s6 =	sadd.s32 @!p0 $0x88, s6;
	s7 =	simm.s32 @p2 $0x1082  }
0x22: {  	[simem:s7], [sflag:s8] =	dma.local @!p0 [hbm:s6], $0xF7A  }
0x23: {  	s9 =	sor.u32 $0xD0000000, s2;
	s6 =	simm.s32 $0x108;
	_ =	swait.ge @!p0 [sflag:s8], $0x0  }
0x24: {  	s3 =	sadd.s32 $0x88, s3;
	s6 =	simm.s32 @!p1 $0x1082;
	[sflag:s4] =	ssyncset.s32 $0xFFFFF086  }
0x25: {  	[simem:s6], [sflag:s4] =	dma.local [hbm:s3], $0xF7A  }
0x26: {  	[smem:$0x3F9A] =	sst s1;
	(tag) =	ssettag s2;
	_ =	strace s9  }
0x27: {  	s1 =	sld [smem:$0x3FAA]  }
0x28: {  	s2 =	sld [smem:$0x3FAB]  }
0x29: {  	s4 =	sld [smem:$0x3FAD]  }
0x2a: {  	p0 =	seq.s32 s5, $0x0;
	s5 =	sld [smem:$0x3FAE]  }
0x2b: {  	s6 =	sld [smem:$0x3FAF]  }
0x2c: {  	s7 =	sld [smem:$0x3FB0]  }
0x2d: {  	s3 =	simm.s32 $0x108;
	s8 =	sld [smem:$0x3FB1]  }
0x2e: {  	s3 =	simm.s32 @!p0 $0x1082;
	s9 =	sld [smem:$0x3FB2]  }
0x2f: {  	lr =	sadd.s32 s0, s3;
	s0 =	sld [smem:$0x3FA9]  }
0x30: {  	s3 =	sld [smem:$0x3FAC]  }
0x31: {  	[smem:$0x3FB5] =	sst s10  }
0x32: {  	s10 =	sld [smem:$0x3FB3];
	_ =	sdelay $0x3  }
0x33: {  	p0 =	seq.s32 s10, $0x1;
	s10 =	sld [smem:$0x3FB5];
	_ =	sdelay $0x3  }
0x34: {  	[smem:$0x3FB5] =	sst s10  }
0x35: {  	s10 =	sld [smem:$0x3FB4];
	_ =	sdelay $0x3  }
0x36: {  	p1 =	seq.s32 s10, $0x1;
	s10 =	sld [smem:$0x3FB5];
	_ =	sdelay $0x3  }
0x37: {  	[smem:$0x3FB5] =	sst s10  }
0x38: {  	s10 =	sld [smem:$0x3FB6]  }
0x39: {  	_ = 	snop;
	(pc) =	sbr.ind lr, $3  }
0x3a: {  	_ = 	snop  }
0x3b: {  	_ = 	snop  }
0x3c: {  	p2 =	seq.s32 s10, $0x1;
	s10 =	sld [smem:$0x3FB5]  }
0x3d: {  	_ =	shalt  }
0x3e: {  	_ =	shalt  }
0x3f: {  	_ =	shalt  }
0x40: {  	_ =	shalt  }
0x41: {  	_ =	shalt  }
0x42: {  	_ =	shalt  }
0x43: {  	_ =	shalt  }
0x44: {  	_ =	shalt  }
0x45: {  	_ =	shalt  }
0x46: {  	_ =	shalt  }
0x47: {  	_ =	shalt  }
0x48: {  	_ =	shalt  }
0x49: {  	_ =	shalt  }
0x4a: {  	_ =	shalt  }
0x4b: {  	_ =	shalt  }
0x4c: {  	_ =	shalt  }
0x4d: {  	_ =	shalt  }
0x4e: {  	_ =	shalt  }
0x4f: {  	_ =	shalt  }
0x50: {  	_ =	shalt  }
0x51: {  	_ =	shalt  }
0x52: {  	_ =	shalt  }
0x53: {  	_ =	shalt  }
0x54: {  	_ =	shalt  }
0x55: {  	_ =	shalt  }
0x56: {  	_ =	shalt  }
0x57: {  	_ =	shalt  }
0x58: {  	_ =	shalt  }
0x59: {  	_ =	shalt  }
0x5a: {  	_ =	shalt  }
0x5b: {  	_ =	shalt  }
0x5c: {  	_ =	shalt  }
0x5d: {  	_ =	shalt  }
0x5e: {  	_ =	shalt  }
0x5f: {  	_ =	shalt  }
0x60: {  	_ =	shalt  }
0x61: {  	_ =	shalt  }
0x62: {  	_ =	shalt  }
0x63: {  	_ =	shalt  }
0x64: {  	_ =	shalt  }
0x65: {  	_ =	shalt  }
0x66: {  	_ =	shalt  }
0x67: {  	_ =	shalt  }
0x68: {  	_ =	shalt  }
0x69: {  	_ =	shalt  }
0x6a: {  	_ =	shalt  }
0x6b: {  	_ =	shalt  }
0x6c: {  	_ =	shalt  }
0x6d: {  	_ =	shalt  }
0x6e: {  	_ =	shalt  }
0x6f: {  	_ =	shalt  }
0x70: {  	_ =	shalt  }
0x71: {  	_ =	shalt  }
0x72: {  	_ =	shalt  }
0x73: {  	_ =	shalt  }
0x74: {  	_ =	shalt  }
0x75: {  	_ =	shalt  }
0x76: {  	_ =	shalt  }
0x77: {  	_ =	shalt  }
0x78: {  	_ =	shalt  }
0x79: {  	_ =	shalt  }
0x7a: {  	_ =	shalt  }
0x7b: {  	_ =	shalt  }
0x7c: {  	_ =	shalt  }
0x7d: {  	_ =	shalt  }
0x7e: {  	_ =	shalt  }
0x7f: {  	_ =	shalt  }
0x80: {  	_ =	shalt  }
0x81: {  	_ =	shalt  }
0x82: {  	_ =	shalt  }
0x83: {  	_ =	shalt  }
0x84: {  	_ =	shalt  }
0x85: {  	_ =	shalt  }
0x86: {  	_ =	shalt  }
0x87: {  	_ =	shalt  }
.Lfunc_end0:
.L_simem_size_0:
called_computation_lowered:
.L_overlay_start_0:
0x88: {  	s2 =	sld [smem:$0x3FD9]  }
0x89: {  	s3 =	sld [smem:$0x3FFE];
	_ =	sdelay $0x1  }
0x8a: {  	s1 =	srdreg.scid  }
0x8b: {  	s0 =	sand.u32 $0x1, s1  }
0x8c: {  	s18 =	sshll.u32 s0, $0xA;
	s2 =	sadd.s32 s3, s2  }
0x8d: {  	s2 =	sadd.s32 s2, s18  }
0x8e: {  	[smem:$0x3FC1] =	sst s2  }
0x8f: {  	_ = 	snop  }
0x90: {  	s2 =	sld [smem:$0x3FC7]  }
0x91: {  	s19 =	sld [smem:$0x3FC6]  }
0x92: {  	s4 =	sld [smem:$0x3FC4]  }
0x93: {  	s5 =	sld [smem:$0x3FC3]  }
0x94: {  	s6 =	sld [smem:$0x3FD0];
	(tm) =	ssettm $0x1  }
0x95: {  	s7 =	sld [smem:$0x3FFB];
	_ =	sdelay $0x3  }
0x96: {  	_ =	strace s7  }
0x97: {  	s7 =	sld [smem:$0x3FFC];
	_ =	sdelay $0x3  }
0x98: {  	_ =	strace s7  }
0x99: {  	s7 =	sld [smem:$0x3FFD];
	_ =	sdelay $0x3  }
0x9a: {  	_ =	strace s7  }
0x9b: {  	_ =	strace $0x8FFFFFFF  }
0x9c: {  	s20 =	sld [smem:$0x3FDB];
	_ =	sdelay $0x1  }
0x9d: {  	s8 =	simm.s32 $_scs_section_size  }
0x9e: {  	s9 =	simm.s32 $_size__tile_overlayer_lowered;
	s10 =	simm.s32 $_tile_overlayer_lowered  }
0x9f: {  	s23 =	simm.s32 $0x1BFF;
	s22 =	sshll.u32 s10, $0x1;
	s7 =	sadd.s32 s8, s20  }
0xa0: {  	s11 =	simm.s32 $0x0;
	s21 =	sshll.u32 s9, $0x1;
	s9 =	sadd.s32 s22, s7  }
0xa1: {  	[timem:s11], [sflag:s23] =	dma.local [hbm:s9], s21  }
0xa2: {  	_ =	swait.ge [sflag:s23], s21  }
0xa3: {  	s8 =	ssub.s32 $0x0, s21;
	[sflag:s23] =	ssyncset.done $0x0  }
0xa4: {  	[sflag:s23] =	ssyncadd.s32 s8;
	_ =	sdelay $0x1  }
0xa5: {  	s24 =	simm.s32 $0x1B8B  }
0xa6: {  	_ =	swait.ge [sflag:s24], $0x1  }
0xa7: {  	[sflag:s24] =	ssyncset.done $0x0  }
0xa8: {  	s25 =	simm.s32 $0x1B8E;
	[sflag:s24] =	ssyncadd.s32 $0xFFFFFFFF  }
0xa9: {  	s26 =	simm.s32 $execute0_lowered;
	[smem:$0x3FD2] =	sst s25  }
0xaa: {  	s8 =	sshll.u32 s26, $0x1;
	_ =	strace $0x80000046;
	[dreg:$0x1] =	wrdreg $0xFFFFFFFF  }
0xab: {  	s28 =	simm.s32 $_size_execute0_lowered;
	s7 =	sadd.s32 s7, s8;
	[dreg:$0x0] =	wrdreg $0x0  }
0xac: {  	s8 =	sshll.u32 s28, $0x1;
	[dreg:$0x2] =	wrdreg s7  }
0xad: {  	[dreg:$0x3] =	wrdreg s8  }
0xae: {  	[dreg:$0x4] =	wrdreg $0xC0  }
0xaf: {  	_ =	task [dreg:s11], $0x5FFFF  }
0xb0: {  	[dreg:$0x1] =	wrdreg $0xFFFFFFFF  }
0xb1: {  	[dreg:$0x0] =	wrdreg $0x60  }
0xb2: {  	[dreg:$0x2] =	wrdreg s2  }
0xb3: {  	[dreg:$0x3] =	wrdreg s19  }
0xb4: {  	[dreg:$0x4] =	wrdreg s4  }
0xb5: {  	[dreg:$0x5] =	wrdreg s5  }
0xb6: {  	[dreg:$0x6] =	wrdreg s6  }
0xb7: {  	[dreg:$0x7] =	wrdreg $0x9  }
0xb8: {  	_ =	task.clear_ibuf [dreg:s11], $0x8FFFF;
	_ =	strace $0x90000046  }
0xb9: {  	s29 =	simm.s32 $0x9;
	_ =	strace $0x80000048  }
0xba: {  	_ =	swait.ge [sflag:s29], $0x1  }
0xbb: {  	[sflag:s29] =	ssyncadd.s32 $0xFFFFFFFF  }
0xbc: {  	_ =	strace $0x90000048  }
0xbd: {  	_ =	sfence  }
0xbe: {  	s30 =	sld [smem:$0x0];
	_ =	sdelay $0x2  }
0xbf: {  	s31 =	sshll.u32 s1, $0xD;
	s1 =	sshrl.u32 s1, $0x2  }
0xc0: {  	s3 =	sand.u32 $0x4000, s31;
	s1 =	sadd.s32 s1, s30  }
0xc1: {  	s0 =	sor.u32 s3, s0;
	s1 =	sshll.u32 s1, $0x11  }
0xc2: {  	s0 =	sor.u32 s1, s0  }
0xc3: {  	s0 =	sadd.s32 $0x8F2B, s0  }
0xc4: {  	[sflag:s0] =	ssyncadd.remote.s32 $0x1  }
0xc5: {  	_ =	sfence.sel $0xFFFF  }
0xc6: {  	[dreg:$0x0] =	wrdreg $0xFFFFFFFF;
	(pc) =	sbr.abs _section_cstart, $3  }
0xc7: {  	[dreg:$0x1] =	wrdreg $0xFFFFFFFF  }
0xc8: {  	_ =	task.clear_ibuf [dreg:s11], $0x2FFFF;
	_ =	strace $0x9FFFFFFF  }
0xc9: {  	(tm) =	ssettm $0x7FFFFFFF  }
tec
execute0_lowered:
.L_overlay_start_1:
0x0: {  	(tag) =	ssettag $0x1  }
0x1: {  	s5 =	rddreg [dreg:$0x0]  }
0x2: {  	s6 =	rddreg [dreg:$0x1]  }
0x3: {  	s1 =	rddreg [dreg:$0x2]  }
0x4: {  	s2 =	rddreg [dreg:$0x3]  }
0x5: {  	s7 =	rddreg [dreg:$0x4];
	s3 =	srdreg.scid  }
0x6: {  	s0 =	rddreg [dreg:$0x5];
	s4 =	simm.s32 $0x0;
	s12 =	simm.s32 $0x4  }
0x7: {  	s13 =	simm.s32 $0x600;
	s14 =	simm.s32 $0x1;
	s15 =	simm.s32 $0x2  }
0x8: {  	s16 =	simm.s32 $0x5;
	s8 =	sand.u32 $0x1, s3;
	s3 =	stileid.u32  }
0x9: {  	[smem:$0x7FF] =	sst s4;
	s9 =	ssub.s32 $0x2, s8;
	s11 =	sshll.u32 s3, $0x7  }
0xa: {  	s8 =	sshll.u32 s8, $0x6;
	_ =	strace $0x80000047;
	s10 =	sshrl.u32 s9, $0x1  }
0xb: {  	s8 =	sor.u32 s8, s11;
	s11 =	simm.s32 $0x400;
	s9 =	ssub.s32 s9, s10  }
0xc: {  	s5 =	sadd.s32 s5, s8;
	s6 =	sadd.s32 s6, s8;
	s7 =	sadd.s32 s7, s8  }
0xd: {  	s10 =	simm.s32 $0x3;
	s8 =	smax.u32 s9, $0x1;
	s9 =	simm.s32 $0x200  }
.LBB2_1:
0xe: {  	[tilespmem:s4], [sflag:$0x3] =	stream.linear.gather [hbm4b:s5+s4], $0x200, $0x38;
	[tilespmem:$0x800] =	vst v63  }
0xf: {  	_ = 	snop  }
0x10: {  	[tilespmem:s9], [sflag:$0x4] =	stream.linear.gather [hbm4b:s6+s4], $0x200, $0x38;
	[tilespmem:$0x800] =	vst v63  }
0x11: {  	_ =	swait.ge [sflag:s10], $0x200  }
0x12: {  	[sflag:s10] =	ssyncset.done $0x0  }
0x13: {  	[sflag:s10] =	ssyncadd.s32 $0xFFFFFE00  }
0x14: {  	[tilespmem:s11], [sflag:$0x1] =	stream.indirect.gather [hbm4b:s1+s9], $0x1, s4, s9, $0xb8;
	[tilespmem:$0x800] =	vst v63  }
0x15: {  	_ =	swait.ge [sflag:s12], $0x200  }
0x16: {  	[sflag:s12] =	ssyncset.done $0x0  }
0x17: {  	[sflag:s12] =	ssyncadd.s32 $0xFFFFFE00  }
0x18: {  	[tilespmem:s13], [sflag:$0x2] =	stream.indirect.gather [hbm4b:s2+s9], $0x1, s9, s9, $0xb8;
	[tilespmem:$0x800] =	vst v63  }
0x19: {  	_ =	swait.ge [sflag:s14], $0x200  }
0x1a: {  	[sflag:s14] =	ssyncset.done $0x0  }
0x1b: {  	[sflag:s14] =	ssyncadd.s32 $0xFFFFFE00  }
0x1c: {  	_ =	swait.ge [sflag:s15], $0x200  }
0x1d: {  	[sflag:s15] =	ssyncset.done $0x0  }
0x1e: {  	[sflag:s15] =	ssyncadd.s32 $0xFFFFFE00  }
0x1f: {  	v0 =	vld [tilespmem:$0x400]  }
0x20: {  	v1 =	vld [tilespmem:$0x600]  }
0x21: {  	v2 =	vld [tilespmem:$0x410]  }
0x22: {  	v3 =	vld [tilespmem:$0x610]  }
0x23: {  	v4 =	vld [tilespmem:$0x420]  }
0x24: {  	v5 =	vld [tilespmem:$0x620]  }
0x25: {  	v6 =	vld [tilespmem:$0x430]  }
0x26: {  	v7 =	vld [tilespmem:$0x630]  }
0x27: {  	v8 =	vld [tilespmem:$0x440]  }
0x28: {  	v9 =	vld [tilespmem:$0x640]  }
0x29: {  	v10 =	vld [tilespmem:$0x450]  }
0x2a: {  	v11 =	vld [tilespmem:$0x650]  }
0x2b: {  	v12 =	vld [tilespmem:$0x460]  }
0x2c: {  	v13 =	vld [tilespmem:$0x660]  }
0x2d: {  	v14 =	vld [tilespmem:$0x470]  }
0x2e: {  	v15 =	vld [tilespmem:$0x670]  }
0x2f: {  	v16 =	vld [tilespmem:$0x480]  }
0x30: {  	v17 =	vld [tilespmem:$0x680]  }
0x31: {  	v18 =	vld [tilespmem:$0x490]  }
0x32: {  	v19 =	vld [tilespmem:$0x690]  }
0x33: {  	v20 =	vld [tilespmem:$0x4A0]  }
0x34: {  	v21 =	vld [tilespmem:$0x6A0]  }
0x35: {  	v22 =	vld [tilespmem:$0x4B0]  }
0x36: {  	v23 =	vld [tilespmem:$0x6B0]  }
0x37: {  	v24 =	vld [tilespmem:$0x4C0]  }
0x38: {  	v25 =	vld [tilespmem:$0x6C0]  }
0x39: {  	v26 =	vld [tilespmem:$0x4D0]  }
0x3a: {  	v27 =	vld [tilespmem:$0x6D0]  }
0x3b: {  	v28 =	vld [tilespmem:$0x4E0]  }
0x3c: {  	v29 =	vld [tilespmem:$0x6E0]  }
0x3d: {  	v30 =	vld [tilespmem:$0x4F0]  }
0x3e: {  	v31 =	vld [tilespmem:$0x6F0]  }
0x3f: {  	v32 =	vld [tilespmem:$0x500]  }
0x40: {  	v33 =	vld [tilespmem:$0x700]  }
0x41: {  	v34 =	vld [tilespmem:$0x510]  }
0x42: {  	v35 =	vld [tilespmem:$0x710]  }
0x43: {  	v36 =	vld [tilespmem:$0x520]  }
0x44: {  	v46 =	vld [tilespmem:$0x720];
	v0 =	vadd.f32 v1, v0  }
0x45: {  	v47 =	vld [tilespmem:$0x530];
	v2 =	vadd.f32 v3, v2  }
0x46: {  	v49 =	vld [tilespmem:$0x730];
	v48 =	vadd.f32 v5, v4;
	[tilespmem:$0x400] =	vst v0  }
0x47: {  	v51 =	vld [tilespmem:$0x540];
	v50 =	vadd.f32 v7, v6;
	[tilespmem:$0x410] =	vst v2  }
0x48: {  	v53 =	vld [tilespmem:$0x740];
	v52 =	vadd.f32 v9, v8;
	[tilespmem:$0x420] =	vst v48  }
0x49: {  	v55 =	vld [tilespmem:$0x550];
	v54 =	vadd.f32 v11, v10;
	[tilespmem:$0x430] =	vst v50  }
0x4a: {  	v57 =	vld [tilespmem:$0x750];
	v56 =	vadd.f32 v13, v12;
	[tilespmem:$0x440] =	vst v52  }
0x4b: {  	v59 =	vld [tilespmem:$0x560];
	v58 =	vadd.f32 v15, v14;
	[tilespmem:$0x450] =	vst v54  }
0x4c: {  	v61 =	vld [tilespmem:$0x760];
	v60 =	vadd.f32 v17, v16;
	[tilespmem:$0x460] =	vst v56  }
0x4d: {  	v63 =	vld [tilespmem:$0x570];
	v62 =	vadd.f32 v19, v18;
	[tilespmem:$0x470] =	vst v58  }
0x4e: {  	v37 =	vld [tilespmem:$0x5A0];
	v20 =	vadd.f32 v21, v20;
	[tilespmem:$0x480] =	vst v60  }
0x4f: {  	v39 =	vld [tilespmem:$0x7A0];
	v22 =	vadd.f32 v23, v22;
	[tilespmem:$0x490] =	vst v62  }
0x50: {  	v41 =	vld [tilespmem:$0x5B0];
	v24 =	vadd.f32 v25, v24;
	[tilespmem:$0x4A0] =	vst v20  }
0x51: {  	v43 =	vld [tilespmem:$0x7B0];
	v26 =	vadd.f32 v27, v26;
	[tilespmem:$0x4B0] =	vst v22  }
0x52: {  	v45 =	vld [tilespmem:$0x5C0];
	v28 =	vadd.f32 v29, v28;
	[tilespmem:$0x4C0] =	vst v24  }
0x53: {  	v21 =	vld [tilespmem:$0x770];
	v31 =	vadd.f32 v31, v30;
	[tilespmem:$0x4D0] =	vst v26  }
0x54: {  	v23 =	vld [tilespmem:$0x580];
	v38 =	vadd.f32 v33, v32;
	[tilespmem:$0x4E0] =	vst v28  }
0x55: {  	v25 =	vld [tilespmem:$0x780];
	v40 =	vadd.f32 v35, v34;
	[tilespmem:$0x4F0] =	vst v31  }
0x56: {  	v27 =	vld [tilespmem:$0x590];
	v42 =	vadd.f32 v46, v36;
	[tilespmem:$0x500] =	vst v38  }
0x57: {  	v29 =	vld [tilespmem:$0x790];
	v44 =	vadd.f32 v49, v47;
	[tilespmem:$0x510] =	vst v40  }
0x58: {  	v46 =	vadd.f32 v53, v51;
	v47 =	vld [tilespmem:$0x7C0];
	[tilespmem:$0x520] =	vst v42  }
0x59: {  	v49 =	vld [tilespmem:$0x5D0];
	v1 =	vadd.f32 v43, v41;
	[tilespmem:$0x530] =	vst v44  }
0x5a: {  	v51 =	vld [tilespmem:$0x7D0];
	v48 =	vadd.f32 v57, v55;
	[tilespmem:$0x540] =	vst v46  }
0x5b: {  	v53 =	vld [tilespmem:$0x5E0];
	v50 =	vadd.f32 v61, v59;
	[tilespmem:$0x5B0] =	vst v1  }
0x5c: {  	v55 =	vld [tilespmem:$0x7E0];
	v58 =	vadd.f32 v39, v37;
	[tilespmem:$0x550] =	vst v48  }
0x5d: {  	v57 =	vld [tilespmem:$0x5F0];
	[tilespmem:$0x560] =	vst v50;
	v52 =	vadd.f32 v21, v63  }
0x5e: {  	v59 =	vld [tilespmem:$0x7F0];
	[tilespmem:$0x5A0] =	vst v58;
	v54 =	vadd.f32 v25, v23  }
0x5f: {  	v56 =	vadd.f32 v29, v27;
	[tilespmem:$0x570] =	vst v52  }
0x60: {  	v60 =	vadd.f32 v47, v45;
	[tilespmem:$0x580] =	vst v54  }
0x61: {  	v61 =	vadd.f32 v51, v49;
	[tilespmem:$0x590] =	vst v56  }
0x62: {  	[tilespmem:$0x5C0] =	vst v60;
	v62 =	vadd.f32 v55, v53  }
0x63: {  	[tilespmem:$0x5D0] =	vst v61;
	v63 =	vadd.f32 v59, v57  }
0x64: {  	p0 =	sne.s32 s8, $0x1;
	[tilespmem:$0x5E0] =	vst v62  }
.Ltmp0:
0x65: {  	[tilespmem:$0x5F0] =	vst v63;
	(pc) =	sbr.rel @p0 .LBB2_1-.Ltmp0, $4  }
0x66: {  	[hbm4b:s7+s4] =	stream.linear.scatter [tilespmem:s11], [sflag:$0x5], $0x200, $0x38;
	[tilespmem:$0x800] =	vst v63  }
0x67: {  	_ =	swait.ge [sflag:s16], $0x200  }
0x68: {  	[sflag:s16] =	ssyncset.done $0x0  }
0x69: {  	s8 =	sadd.s32 $0xFFFFFFFF, s8;
	[sflag:s16] =	ssyncadd.s32 $0xFFFFFE00  }
0x6a: {  	_ =	sfence.sel $0x180000  }
0x6b: {  	[bflag:$0x0] =	sbarrier.arrive $0xFFFF  }
0x6c: {  	p0 =	sne.s32 s3, $0x0;
	_ =	strace $0x90000047  }
0x6d: {  	s0 =	sadd.s32 @!p0 $0x100000, s0;
	[bflag:$0x2] =	sbarrier.arrive $0xFFFF  }
0x6e: {  	[sflag:s0] =	ssyncadd.tile.s32 @!p0 $0x1;
	_ =	shalt  }
.Lfunc_end2:
_tile_overlayer_lowered:
.L_overlay_start_2:
0x6f: {  	(tag) =	ssettag $0x2  }
0x70: {  	s0 =	rddreg [dreg:$0x0];
	s2 =	stileid.u32  }
0x71: {  	s1 =	rddreg [dreg:$0x1];
	p0 =	sne.s32 s2, $0x0  }
0x72: {  	s3 =	rddreg [dreg:$0x2];
	[bflag:$0x3] =	sbarrier.arrive $0xFFFF;
	s2 =	simm.s32 @!p0 $0x1C05  }
0x73: {  	[timem:s3], [sflag:s2] =	dma.local @!p0 [hbm:s0], s1  }
0x74: {  	s0 =	simm.s32 @!p0 $0x5  }
0x75: {  	_ =	swait.ge @!p0 [sflag:s0], s1  }
0x76: {  	s1 =	ssub.s32 @!p0 $0x0, s1;
	[sflag:s0] =	ssyncset.done @!p0 $0x0  }
0x77: {  	[sflag:s0] =	ssyncadd.s32 @!p0 s1  }
0x78: {  	[bflag:$0x3] =	sbarrier.arrive $0xFFFF  }
0x79: {  	_ =	shalt  }

</sc_bundles>
